<compile_context>
chip_gen: v7x
topology: tpu7x:2x2x1
jax: 0.10.2.dev20260603
libtpu: 0.0.44.dev20260713+nightly
codegen_flags: <defaults>
</compile_context>

<pallas_src>
import jax
import jax.numpy as jnp
from jax.experimental import pallas as pl
from jax.experimental.pallas import tpu as pltpu

_N = 64
_NF = 64
_EF = 16
_EFA = _EF + 1
_EFP = 32
_MS = 64
_OF = 64
_PASSES = 3
_Q = 4
_BQ = 4
_NEG = 1024.0


def _mpnn_block(adj_ref, nodes_ref, e4_ref, wmsg_e4_ref, wmsg_n4_ref,
                wupd_h4_ref, wupd_m4_ref, wout_h4_ref, wout_n4_ref, out_ref):
    adj = adj_ref[...].reshape(_BQ, _Q, _N, _N)

    n_r = nodes_ref[...].reshape(_BQ, _Q, _N, _NF)
    nodes_pk = jnp.concatenate([n_r[:, q] for q in range(_Q)],
                               axis=-1)

    e4 = e4_ref[...].reshape(_BQ * _N * _N, _Q * _EFP)
    e_bar = jnp.dot(e4, wmsg_e4_ref[...], preferred_element_type=jnp.float32)
    e_bar = e_bar.reshape(_BQ, _N, _N, _Q * _MS)

    deg = jnp.sum(adj, axis=3)
    deg_bc = jnp.concatenate(
        [jnp.broadcast_to(deg[:, q][..., None], (_BQ, _N, _MS))
         for q in range(_Q)], axis=-1)
    mask = (deg_bc != 0).astype(jnp.float32)
    corr = _N - deg_bc

    hidden = nodes_pk
    for _ in range(_PASSES):
        h_proj = jnp.dot(hidden.reshape(_BQ * _N, _Q * _NF), wmsg_n4_ref[...],
                         preferred_element_type=jnp.float32)
        h_proj = h_proj.reshape(_BQ, 1, _N, _Q * _MS)
        msgs = jnp.sum(jnp.tanh(e_bar + h_proj), axis=2) + corr
        pre = (jnp.dot(hidden.reshape(_BQ * _N, _Q * _NF), wupd_h4_ref[...],
                       preferred_element_type=jnp.float32)
               + jnp.dot(msgs.reshape(_BQ * _N, _Q * _MS), wupd_m4_ref[...],
                         preferred_element_type=jnp.float32))
        upd = jnp.tanh(pre).reshape(_BQ, _N, _Q * _NF)
        hidden = hidden + mask * (upd - hidden)

    h_sum = jnp.sum(hidden * mask, axis=1)
    n_sum = jnp.sum(nodes_pk * mask, axis=1)
    out = (jnp.dot(h_sum, wout_h4_ref[...], preferred_element_type=jnp.float32)
           + jnp.dot(n_sum, wout_n4_ref[...],
                     preferred_element_type=jnp.float32))
    out_ref[...] = out[None]


def _blockdiag4(w):
    r, c = w.shape
    out = jnp.zeros((_Q * r, _Q * c), w.dtype)
    for q in range(_Q):
        out = out.at[q * r:(q + 1) * r, q * c:(q + 1) * c].set(w)
    return out


@jax.jit
def kernel(adjacency, nodes, edges, W_msg, W_upd, W_out):
    b = adjacency.shape[0]
    gb = _Q * _BQ

    e_aug = jnp.concatenate(
        [edges.astype(jnp.bfloat16),
         (1.0 - adjacency)[..., None].astype(jnp.bfloat16)], axis=-1)
    e_aug = jnp.pad(e_aug, ((0, 0), (0, 0), (0, 0), (0, _EFP - _EFA)))
    e4 = e_aug.reshape(b // _Q, _Q, _N, _N, _EFP)
    e4 = jnp.transpose(e4, (0, 2, 3, 1, 4)).reshape(b // _Q, _N,
                                                    _N * _Q * _EFP)

    w_e = jnp.concatenate(
        [W_msg[_NF:], jnp.full((1, _MS), -_NEG, jnp.float32),
         jnp.zeros((_EFP - _EFA, _MS), jnp.float32)], axis=0)
    wmsg_e4 = _blockdiag4(w_e).astype(jnp.bfloat16)
    wmsg_n4 = _blockdiag4(W_msg[:_NF])
    wupd_h4 = _blockdiag4(W_upd[:_NF])
    wupd_m4 = _blockdiag4(W_upd[_NF:])
    wout_h4 = _blockdiag4(W_out[:_NF])
    wout_n4 = _blockdiag4(W_out[_NF:])

    grid = (b // gb,)
    full = lambda i: (0, 0)
    out = pl.pallas_call(
        _mpnn_block,
        grid=grid,
        in_specs=[
            pl.BlockSpec((gb, _N, _N), lambda i: (i, 0, 0)),
            pl.BlockSpec((gb, _N, _NF), lambda i: (i, 0, 0)),
            pl.BlockSpec((_BQ, _N, _N * _Q * _EFP), lambda i: (i, 0, 0)),
            pl.BlockSpec((_Q * _EFP, _Q * _MS), full),
            pl.BlockSpec((_Q * _NF, _Q * _MS), full),
            pl.BlockSpec((_Q * _NF, _Q * _NF), full),
            pl.BlockSpec((_Q * _MS, _Q * _NF), full),
            pl.BlockSpec((_Q * _NF, _Q * _OF), full),
            pl.BlockSpec((_Q * _NF, _Q * _OF), full),
        ],
        out_specs=pl.BlockSpec((1, _BQ, _Q * _OF), lambda i: (i, 0, 0)),
        out_shape=jax.ShapeDtypeStruct((b // gb, _BQ, _Q * _OF), jnp.float32),
        compiler_params=pltpu.CompilerParams(
            dimension_semantics=("arbitrary",),
        ),
    )(adjacency, nodes, e4, wmsg_e4, wmsg_n4, wupd_h4, wupd_m4,
      wout_h4, wout_n4)
    return out.reshape(b, _OF)

# --- scband reference (transcript-rebuilt; emitter-appended) ---
"""Pipeline reference for scband-aggregation-mpnn-18365280157752 (READ-ONLY COPY).

The authoritative reference and input builder live on the scoring server;
editing this copy changes nothing except your own understanding.
"""

import jax, jax.numpy as jnp
import numpy as np

NODE_FEATURES = 64
EDGE_FEATURES = 16
MESSAGE_SIZE = 64
MESSAGE_PASSES = 3
OUT_FEATURES = 64
B, N = 128, 64


def setup_inputs(seed: int = 0):
    key = jax.random.key(seed)
    k1, k2, k3, k4, k5, k6 = jax.random.split(key, 6)
    adjacency = jax.random.randint(k1, (B, N, N), 0, 2).astype(jnp.float32)
    nodes = jax.random.normal(k2, (B, N, NODE_FEATURES), dtype=jnp.float32)
    edges = jax.random.normal(k3, (B, N, N, EDGE_FEATURES), dtype=jnp.float32)
    W_msg = jax.random.normal(k4, (NODE_FEATURES + EDGE_FEATURES, MESSAGE_SIZE), dtype=jnp.float32) * 0.05
    W_upd = jax.random.normal(k5, (NODE_FEATURES + MESSAGE_SIZE, NODE_FEATURES), dtype=jnp.float32) * 0.05
    W_out = jax.random.normal(k6, (2 * NODE_FEATURES, OUT_FEATURES), dtype=jnp.float32) * 0.05
    return {"adjacency": adjacency, "nodes": nodes, "edges": edges,
            "W_msg": W_msg, "W_upd": W_upd, "W_out": W_out}


def reference(adjacency, nodes, edges, W_msg, W_upd, W_out):
    b, n = adjacency.shape[0], adjacency.shape[1]
    node_mask = (adjacency.sum(-1) != 0).astype(jnp.float32)

    hidden = nodes
    for _ in range(MESSAGE_PASSES):
        # neighbour hidden states aligned with edges: nbn[b, n, nb, :] = hidden[b, nb, :]
        nbn = jnp.broadcast_to(hidden[:, None, :, :], (b, n, n, NODE_FEATURES))
        # aggregate_message: edge-conditioned masked sum over neighbours
        cat = jnp.concatenate([nbn, edges], axis=-1)
        messages = (jnp.tanh(cat @ W_msg) * adjacency[:, :, :, None]).sum(axis=2)
        # update (only nodes with degree > 0 are updated)
        upd = jnp.tanh(jnp.concatenate([hidden, messages], axis=-1) @ W_upd)
        hidden = jnp.where(node_mask[:, :, None] != 0, upd, hidden)

    # readout: masked sum over nodes of a linear on [hidden, input]
    gated = jnp.concatenate([hidden, nodes], axis=-1) @ W_out
    output = (gated * node_mask[:, :, None]).sum(axis=1)
    return output

if __name__ == "__main__":
    import jax
    _d = setup_inputs()
    print(jax.jit(kernel)(*tuple(_d.values())))

</pallas_src>

<mosaic_0001>
module attributes {stable_mosaic.version = 14 : i64} {
  func.func @_mpnn_block(%arg0: i32, %arg1: memref<16x64x64xf32, #tpu.memory_space<vmem>>, %arg2: memref<16x64x64xf32, #tpu.memory_space<vmem>>, %arg3: memref<4x64x8192xbf16, #tpu.memory_space<vmem>>, %arg4: memref<128x256xbf16, #tpu.memory_space<vmem>>, %arg5: memref<256x256xf32, #tpu.memory_space<vmem>>, %arg6: memref<256x256xf32, #tpu.memory_space<vmem>>, %arg7: memref<256x256xf32, #tpu.memory_space<vmem>>, %arg8: memref<256x256xf32, #tpu.memory_space<vmem>>, %arg9: memref<256x256xf32, #tpu.memory_space<vmem>>, %arg10: memref<1x4x256xf32, #tpu.memory_space<vmem>>) attributes {dimension_semantics = [#tpu.dimension_semantics<arbitrary>], iteration_bounds = array<i64: 8>, scalar_prefetch = 0 : i64, scratch_operands = 0 : i64, tpu.core_type = #tpu.core_type<tc>, window_params = [{transform_indices = @transform_0, window_bounds = array<i64: 16, 64, 64>}, {transform_indices = @transform_1, window_bounds = array<i64: 16, 64, 64>}, {transform_indices = @transform_2, window_bounds = array<i64: 4, 64, 8192>}, {pipeline_mode = #tpu.pipeline_mode<synchronous>, transform_indices = @transform_3, window_bounds = array<i64: 128, 256>}, {pipeline_mode = #tpu.pipeline_mode<synchronous>, transform_indices = @transform_4, window_bounds = array<i64: 256, 256>}, {pipeline_mode = #tpu.pipeline_mode<synchronous>, transform_indices = @transform_5, window_bounds = array<i64: 256, 256>}, {pipeline_mode = #tpu.pipeline_mode<synchronous>, transform_indices = @transform_6, window_bounds = array<i64: 256, 256>}, {pipeline_mode = #tpu.pipeline_mode<synchronous>, transform_indices = @transform_7, window_bounds = array<i64: 256, 256>}, {pipeline_mode = #tpu.pipeline_mode<synchronous>, transform_indices = @transform_8, window_bounds = array<i64: 256, 256>}, {transform_indices = @transform_9, window_bounds = array<i64: 1, 4, 256>}]} {
    %get3A = arith.constant 0 : index
    %get3A_0 = arith.constant 0 : index
    %get3A_1 = arith.constant 0 : index
    %get3A_2 = vector.load %arg1[%get3A, %get3A_0, %get3A_1] : memref<16x64x64xf32, #tpu.memory_space<vmem>>, vector<16x64x64xf32>
    %reshape3A = vector.shape_cast %get3A_2 : vector<16x64x64xf32> to vector<4x4x64x64xf32>
    %get3A_3 = arith.constant 0 : index
    %get3A_4 = arith.constant 0 : index
    %get3A_5 = arith.constant 0 : index
    %get3A_6 = vector.load %arg2[%get3A_3, %get3A_4, %get3A_5] : memref<16x64x64xf32, #tpu.memory_space<vmem>>, vector<16x64x64xf32>
    %reshape3A_7 = vector.shape_cast %get3A_6 : vector<16x64x64xf32> to vector<4x4x64x64xf32>
    %slice3A = vector.extract_strided_slice %reshape3A_7 {offsets = [0, 0, 0, 0], sizes = [4, 1, 64, 64], strides = [1, 1, 1, 1]} : vector<4x4x64x64xf32> to vector<4x1x64x64xf32>
    %squeeze3A = vector.shape_cast %slice3A : vector<4x1x64x64xf32> to vector<4x64x64xf32>
    %slice3A_8 = vector.extract_strided_slice %reshape3A_7 {offsets = [0, 1, 0, 0], sizes = [4, 1, 64, 64], strides = [1, 1, 1, 1]} : vector<4x4x64x64xf32> to vector<4x1x64x64xf32>
    %squeeze3A_9 = vector.shape_cast %slice3A_8 : vector<4x1x64x64xf32> to vector<4x64x64xf32>
    %slice3A_10 = vector.extract_strided_slice %reshape3A_7 {offsets = [0, 2, 0, 0], sizes = [4, 1, 64, 64], strides = [1, 1, 1, 1]} : vector<4x4x64x64xf32> to vector<4x1x64x64xf32>
    %squeeze3A_11 = vector.shape_cast %slice3A_10 : vector<4x1x64x64xf32> to vector<4x64x64xf32>
    %slice3A_12 = vector.extract_strided_slice %reshape3A_7 {offsets = [0, 3, 0, 0], sizes = [4, 1, 64, 64], strides = [1, 1, 1, 1]} : vector<4x4x64x64xf32> to vector<4x1x64x64xf32>
    %squeeze3A_13 = vector.shape_cast %slice3A_12 : vector<4x1x64x64xf32> to vector<4x64x64xf32>
    %concatenate3A = tpu.concatenate %squeeze3A, %squeeze3A_9, %squeeze3A_11, %squeeze3A_13 in 2 : vector<4x64x64xf32>, vector<4x64x64xf32>, vector<4x64x64xf32>, vector<4x64x64xf32> -> vector<4x64x256xf32>
    %get3A_14 = arith.constant 0 : index
    %get3A_15 = arith.constant 0 : index
    %get3A_16 = arith.constant 0 : index
    %get3A_17 = vector.load %arg3[%get3A_14, %get3A_15, %get3A_16] : memref<4x64x8192xbf16, #tpu.memory_space<vmem>>, vector<4x64x8192xbf16>
    %reshape3A_18 = vector.shape_cast %get3A_17 : vector<4x64x8192xbf16> to vector<16384x128xbf16>
    %get3A_19 = arith.constant 0 : index
    %get3A_20 = arith.constant 0 : index
    %get3A_21 = vector.load %arg4[%get3A_19, %get3A_20] : memref<128x256xbf16, #tpu.memory_space<vmem>>, vector<128x256xbf16>
    %dot_general3A = arith.constant dense<0.000000e+00> : vector<16384x256xf32>
    %dot_general3A_22 = tpu.matmul %reshape3A_18, %get3A_21, %dot_general3A {dimension_numbers = #tpu.dot_dimension_numbers<[1], [0], [0], [1], [0, 0, 1, 1], [], []>, transpose_lhs_hint = false} : vector<16384x128xbf16>, vector<128x256xbf16>, vector<16384x256xf32> -> vector<16384x256xf32>
    %reshape3A_23 = vector.shape_cast %dot_general3A_22 : vector<16384x256xf32> to vector<4x64x64x256xf32>
    %reduce_sum3A = arith.constant dense<0.000000e+00> : vector<4x4x64xf32>
    %reduce_sum3A_24 = vector.multi_reduction <add>, %reshape3A, %reduce_sum3A [3] : vector<4x4x64x64xf32> to vector<4x4x64xf32>
    %slice3A_25 = vector.extract_strided_slice %reduce_sum3A_24 {offsets = [0, 0, 0], sizes = [4, 1, 64], strides = [1, 1, 1]} : vector<4x4x64xf32> to vector<4x1x64xf32>
    %squeeze3A_26 = vector.shape_cast %slice3A_25 : vector<4x1x64xf32> to vector<4x64xf32>
    %broadcast_in_dim3A = vector.shape_cast %squeeze3A_26 : vector<4x64xf32> to vector<4x64x1xf32>
    %broadcast_in_dim3A_27 = vector.shape_cast %broadcast_in_dim3A : vector<4x64x1xf32> to vector<4x64x1xf32>
    %broadcast_in_dim3A_28 = vector.broadcast %broadcast_in_dim3A_27 : vector<4x64x1xf32> to vector<4x64x64xf32>
    %slice3A_29 = vector.extract_strided_slice %reduce_sum3A_24 {offsets = [0, 1, 0], sizes = [4, 1, 64], strides = [1, 1, 1]} : vector<4x4x64xf32> to vector<4x1x64xf32>
    %squeeze3A_30 = vector.shape_cast %slice3A_29 : vector<4x1x64xf32> to vector<4x64xf32>
    %broadcast_in_dim3A_31 = vector.shape_cast %squeeze3A_30 : vector<4x64xf32> to vector<4x64x1xf32>
    %broadcast_in_dim3A_32 = vector.shape_cast %broadcast_in_dim3A_31 : vector<4x64x1xf32> to vector<4x64x1xf32>
    %broadcast_in_dim3A_33 = vector.broadcast %broadcast_in_dim3A_32 : vector<4x64x1xf32> to vector<4x64x64xf32>
    %slice3A_34 = vector.extract_strided_slice %reduce_sum3A_24 {offsets = [0, 2, 0], sizes = [4, 1, 64], strides = [1, 1, 1]} : vector<4x4x64xf32> to vector<4x1x64xf32>
    %squeeze3A_35 = vector.shape_cast %slice3A_34 : vector<4x1x64xf32> to vector<4x64xf32>
    %broadcast_in_dim3A_36 = vector.shape_cast %squeeze3A_35 : vector<4x64xf32> to vector<4x64x1xf32>
    %broadcast_in_dim3A_37 = vector.shape_cast %broadcast_in_dim3A_36 : vector<4x64x1xf32> to vector<4x64x1xf32>
    %broadcast_in_dim3A_38 = vector.broadcast %broadcast_in_dim3A_37 : vector<4x64x1xf32> to vector<4x64x64xf32>
    %slice3A_39 = vector.extract_strided_slice %reduce_sum3A_24 {offsets = [0, 3, 0], sizes = [4, 1, 64], strides = [1, 1, 1]} : vector<4x4x64xf32> to vector<4x1x64xf32>
    %squeeze3A_40 = vector.shape_cast %slice3A_39 : vector<4x1x64xf32> to vector<4x64xf32>
    %broadcast_in_dim3A_41 = vector.shape_cast %squeeze3A_40 : vector<4x64xf32> to vector<4x64x1xf32>
    %broadcast_in_dim3A_42 = vector.shape_cast %broadcast_in_dim3A_41 : vector<4x64x1xf32> to vector<4x64x1xf32>
    %broadcast_in_dim3A_43 = vector.broadcast %broadcast_in_dim3A_42 : vector<4x64x1xf32> to vector<4x64x64xf32>
    %concatenate3A_44 = tpu.concatenate %broadcast_in_dim3A_28, %broadcast_in_dim3A_33, %broadcast_in_dim3A_38, %broadcast_in_dim3A_43 in 2 : vector<4x64x64xf32>, vector<4x64x64xf32>, vector<4x64x64xf32>, vector<4x64x64xf32> -> vector<4x64x256xf32>
    %ne3A = arith.constant 0.000000e+00 : f32
    %ne3A_45 = vector.broadcast %ne3A : f32 to vector<4x64x256xf32>
    %ne3A_46 = arith.cmpf one, %concatenate3A_44, %ne3A_45 : vector<4x64x256xf32>
    %convert_element_type3A = arith.extui %ne3A_46 : vector<4x64x256xi1> to vector<4x64x256xi32>
    %convert_element_type3A_47 = arith.sitofp %convert_element_type3A : vector<4x64x256xi32> to vector<4x64x256xf32>
    %sub3A = arith.constant 6.400000e+01 : f32
    %sub3A_48 = vector.broadcast %sub3A : f32 to vector<4x64x256xf32>
    %sub3A_49 = arith.subf %sub3A_48, %concatenate3A_44 : vector<4x64x256xf32>
    %reshape3A_50 = vector.shape_cast %concatenate3A : vector<4x64x256xf32> to vector<256x256xf32>
    %get3A_51 = arith.constant 0 : index
    %get3A_52 = arith.constant 0 : index
    %get3A_53 = vector.load %arg5[%get3A_51, %get3A_52] : memref<256x256xf32, #tpu.memory_space<vmem>>, vector<256x256xf32>
    %dot_general3A_54 = arith.constant dense<0.000000e+00> : vector<256x256xf32>
    %dot_general3A_55 = tpu.matmul %reshape3A_50, %get3A_53, %dot_general3A_54 {dimension_numbers = #tpu.dot_dimension_numbers<[1], [0], [0], [1], [0, 0, 1, 1], [], []>, transpose_lhs_hint = false} : vector<256x256xf32>, vector<256x256xf32>, vector<256x256xf32> -> vector<256x256xf32>
    %reshape3A_56 = vector.shape_cast %dot_general3A_55 : vector<256x256xf32> to vector<4x1x64x256xf32>
    %add3A = vector.broadcast %reshape3A_56 : vector<4x1x64x256xf32> to vector<4x64x64x256xf32>
    %add3A_57 = arith.addf %reshape3A_23, %add3A : vector<4x64x64x256xf32>
    %tanh3A = math.tanh %add3A_57 : vector<4x64x64x256xf32>
    %reduce_sum3A_58 = arith.constant dense<0.000000e+00> : vector<4x64x256xf32>
    %reduce_sum3A_59 = vector.multi_reduction <add>, %tanh3A, %reduce_sum3A_58 [2] : vector<4x64x64x256xf32> to vector<4x64x256xf32>
    %add3A_60 = arith.addf %reduce_sum3A_59, %sub3A_49 : vector<4x64x256xf32>
    %reshape3A_61 = vector.shape_cast %concatenate3A : vector<4x64x256xf32> to vector<256x256xf32>
    %get3A_62 = arith.constant 0 : index
    %get3A_63 = arith.constant 0 : index
    %get3A_64 = vector.load %arg6[%get3A_62, %get3A_63] : memref<256x256xf32, #tpu.memory_space<vmem>>, vector<256x256xf32>
    %dot_general3A_65 = arith.constant dense<0.000000e+00> : vector<256x256xf32>
    %dot_general3A_66 = tpu.matmul %reshape3A_61, %get3A_64, %dot_general3A_65 {dimension_numbers = #tpu.dot_dimension_numbers<[1], [0], [0], [1], [0, 0, 1, 1], [], []>, transpose_lhs_hint = false} : vector<256x256xf32>, vector<256x256xf32>, vector<256x256xf32> -> vector<256x256xf32>
    %reshape3A_67 = vector.shape_cast %add3A_60 : vector<4x64x256xf32> to vector<256x256xf32>
    %get3A_68 = arith.constant 0 : index
    %get3A_69 = arith.constant 0 : index
    %get3A_70 = vector.load %arg7[%get3A_68, %get3A_69] : memref<256x256xf32, #tpu.memory_space<vmem>>, vector<256x256xf32>
    %dot_general3A_71 = arith.constant dense<0.000000e+00> : vector<256x256xf32>
    %dot_general3A_72 = tpu.matmul %reshape3A_67, %get3A_70, %dot_general3A_71 {dimension_numbers = #tpu.dot_dimension_numbers<[1], [0], [0], [1], [0, 0, 1, 1], [], []>, transpose_lhs_hint = false} : vector<256x256xf32>, vector<256x256xf32>, vector<256x256xf32> -> vector<256x256xf32>
    %add3A_73 = arith.addf %dot_general3A_66, %dot_general3A_72 : vector<256x256xf32>
    %tanh3A_74 = math.tanh %add3A_73 : vector<256x256xf32>
    %reshape3A_75 = vector.shape_cast %tanh3A_74 : vector<256x256xf32> to vector<4x64x256xf32>
    %sub3A_76 = arith.subf %reshape3A_75, %concatenate3A : vector<4x64x256xf32>
    %mul3A = arith.mulf %convert_element_type3A_47, %sub3A_76 : vector<4x64x256xf32>
    %add3A_77 = arith.addf %concatenate3A, %mul3A : vector<4x64x256xf32>
    %reshape3A_78 = vector.shape_cast %add3A_77 : vector<4x64x256xf32> to vector<256x256xf32>
    %get3A_79 = arith.constant 0 : index
    %get3A_80 = arith.constant 0 : index
    %get3A_81 = vector.load %arg5[%get3A_79, %get3A_80] : memref<256x256xf32, #tpu.memory_space<vmem>>, vector<256x256xf32>
    %dot_general3A_82 = arith.constant dense<0.000000e+00> : vector<256x256xf32>
    %dot_general3A_83 = tpu.matmul %reshape3A_78, %get3A_81, %dot_general3A_82 {dimension_numbers = #tpu.dot_dimension_numbers<[1], [0], [0], [1], [0, 0, 1, 1], [], []>, transpose_lhs_hint = false} : vector<256x256xf32>, vector<256x256xf32>, vector<256x256xf32> -> vector<256x256xf32>
    %reshape3A_84 = vector.shape_cast %dot_general3A_83 : vector<256x256xf32> to vector<4x1x64x256xf32>
    %add3A_85 = vector.broadcast %reshape3A_84 : vector<4x1x64x256xf32> to vector<4x64x64x256xf32>
    %add3A_86 = arith.addf %reshape3A_23, %add3A_85 : vector<4x64x64x256xf32>
    %tanh3A_87 = math.tanh %add3A_86 : vector<4x64x64x256xf32>
    %reduce_sum3A_88 = arith.constant dense<0.000000e+00> : vector<4x64x256xf32>
    %reduce_sum3A_89 = vector.multi_reduction <add>, %tanh3A_87, %reduce_sum3A_88 [2] : vector<4x64x64x256xf32> to vector<4x64x256xf32>
    %add3A_90 = arith.addf %reduce_sum3A_89, %sub3A_49 : vector<4x64x256xf32>
    %reshape3A_91 = vector.shape_cast %add3A_77 : vector<4x64x256xf32> to vector<256x256xf32>
    %get3A_92 = arith.constant 0 : index
    %get3A_93 = arith.constant 0 : index
    %get3A_94 = vector.load %arg6[%get3A_92, %get3A_93] : memref<256x256xf32, #tpu.memory_space<vmem>>, vector<256x256xf32>
    %dot_general3A_95 = arith.constant dense<0.000000e+00> : vector<256x256xf32>
    %dot_general3A_96 = tpu.matmul %reshape3A_91, %get3A_94, %dot_general3A_95 {dimension_numbers = #tpu.dot_dimension_numbers<[1], [0], [0], [1], [0, 0, 1, 1], [], []>, transpose_lhs_hint = false} : vector<256x256xf32>, vector<256x256xf32>, vector<256x256xf32> -> vector<256x256xf32>
    %reshape3A_97 = vector.shape_cast %add3A_90 : vector<4x64x256xf32> to vector<256x256xf32>
    %get3A_98 = arith.constant 0 : index
    %get3A_99 = arith.constant 0 : index
    %get3A_100 = vector.load %arg7[%get3A_98, %get3A_99] : memref<256x256xf32, #tpu.memory_space<vmem>>, vector<256x256xf32>
    %dot_general3A_101 = arith.constant dense<0.000000e+00> : vector<256x256xf32>
    %dot_general3A_102 = tpu.matmul %reshape3A_97, %get3A_100, %dot_general3A_101 {dimension_numbers = #tpu.dot_dimension_numbers<[1], [0], [0], [1], [0, 0, 1, 1], [], []>, transpose_lhs_hint = false} : vector<256x256xf32>, vector<256x256xf32>, vector<256x256xf32> -> vector<256x256xf32>
    %add3A_103 = arith.addf %dot_general3A_96, %dot_general3A_102 : vector<256x256xf32>
    %tanh3A_104 = math.tanh %add3A_103 : vector<256x256xf32>
    %reshape3A_105 = vector.shape_cast %tanh3A_104 : vector<256x256xf32> to vector<4x64x256xf32>
    %sub3A_106 = arith.subf %reshape3A_105, %add3A_77 : vector<4x64x256xf32>
    %mul3A_107 = arith.mulf %convert_element_type3A_47, %sub3A_106 : vector<4x64x256xf32>
    %add3A_108 = arith.addf %add3A_77, %mul3A_107 : vector<4x64x256xf32>
    %reshape3A_109 = vector.shape_cast %add3A_108 : vector<4x64x256xf32> to vector<256x256xf32>
    %get3A_110 = arith.constant 0 : index
    %get3A_111 = arith.constant 0 : index
    %get3A_112 = vector.load %arg5[%get3A_110, %get3A_111] : memref<256x256xf32, #tpu.memory_space<vmem>>, vector<256x256xf32>
    %dot_general3A_113 = arith.constant dense<0.000000e+00> : vector<256x256xf32>
    %dot_general3A_114 = tpu.matmul %reshape3A_109, %get3A_112, %dot_general3A_113 {dimension_numbers = #tpu.dot_dimension_numbers<[1], [0], [0], [1], [0, 0, 1, 1], [], []>, transpose_lhs_hint = false} : vector<256x256xf32>, vector<256x256xf32>, vector<256x256xf32> -> vector<256x256xf32>
    %reshape3A_115 = vector.shape_cast %dot_general3A_114 : vector<256x256xf32> to vector<4x1x64x256xf32>
    %add3A_116 = vector.broadcast %reshape3A_115 : vector<4x1x64x256xf32> to vector<4x64x64x256xf32>
    %add3A_117 = arith.addf %reshape3A_23, %add3A_116 : vector<4x64x64x256xf32>
    %tanh3A_118 = math.tanh %add3A_117 : vector<4x64x64x256xf32>
    %reduce_sum3A_119 = arith.constant dense<0.000000e+00> : vector<4x64x256xf32>
    %reduce_sum3A_120 = vector.multi_reduction <add>, %tanh3A_118, %reduce_sum3A_119 [2] : vector<4x64x64x256xf32> to vector<4x64x256xf32>
    %add3A_121 = arith.addf %reduce_sum3A_120, %sub3A_49 : vector<4x64x256xf32>
    %reshape3A_122 = vector.shape_cast %add3A_108 : vector<4x64x256xf32> to vector<256x256xf32>
    %get3A_123 = arith.constant 0 : index
    %get3A_124 = arith.constant 0 : index
    %get3A_125 = vector.load %arg6[%get3A_123, %get3A_124] : memref<256x256xf32, #tpu.memory_space<vmem>>, vector<256x256xf32>
    %dot_general3A_126 = arith.constant dense<0.000000e+00> : vector<256x256xf32>
    %dot_general3A_127 = tpu.matmul %reshape3A_122, %get3A_125, %dot_general3A_126 {dimension_numbers = #tpu.dot_dimension_numbers<[1], [0], [0], [1], [0, 0, 1, 1], [], []>, transpose_lhs_hint = false} : vector<256x256xf32>, vector<256x256xf32>, vector<256x256xf32> -> vector<256x256xf32>
    %reshape3A_128 = vector.shape_cast %add3A_121 : vector<4x64x256xf32> to vector<256x256xf32>
    %get3A_129 = arith.constant 0 : index
    %get3A_130 = arith.constant 0 : index
    %get3A_131 = vector.load %arg7[%get3A_129, %get3A_130] : memref<256x256xf32, #tpu.memory_space<vmem>>, vector<256x256xf32>
    %dot_general3A_132 = arith.constant dense<0.000000e+00> : vector<256x256xf32>
    %dot_general3A_133 = tpu.matmul %reshape3A_128, %get3A_131, %dot_general3A_132 {dimension_numbers = #tpu.dot_dimension_numbers<[1], [0], [0], [1], [0, 0, 1, 1], [], []>, transpose_lhs_hint = false} : vector<256x256xf32>, vector<256x256xf32>, vector<256x256xf32> -> vector<256x256xf32>
    %add3A_134 = arith.addf %dot_general3A_127, %dot_general3A_133 : vector<256x256xf32>
    %tanh3A_135 = math.tanh %add3A_134 : vector<256x256xf32>
    %reshape3A_136 = vector.shape_cast %tanh3A_135 : vector<256x256xf32> to vector<4x64x256xf32>
    %sub3A_137 = arith.subf %reshape3A_136, %add3A_108 : vector<4x64x256xf32>
    %mul3A_138 = arith.mulf %convert_element_type3A_47, %sub3A_137 : vector<4x64x256xf32>
    %add3A_139 = arith.addf %add3A_108, %mul3A_138 : vector<4x64x256xf32>
    %mul3A_140 = arith.mulf %add3A_139, %convert_element_type3A_47 : vector<4x64x256xf32>
    %reduce_sum3A_141 = arith.constant dense<0.000000e+00> : vector<4x256xf32>
    %reduce_sum3A_142 = vector.multi_reduction <add>, %mul3A_140, %reduce_sum3A_141 [1] : vector<4x64x256xf32> to vector<4x256xf32>
    %mul3A_143 = arith.mulf %concatenate3A, %convert_element_type3A_47 : vector<4x64x256xf32>
    %reduce_sum3A_144 = arith.constant dense<0.000000e+00> : vector<4x256xf32>
    %reduce_sum3A_145 = vector.multi_reduction <add>, %mul3A_143, %reduce_sum3A_144 [1] : vector<4x64x256xf32> to vector<4x256xf32>
    %get3A_146 = arith.constant 0 : index
    %get3A_147 = arith.constant 0 : index
    %get3A_148 = vector.load %arg8[%get3A_146, %get3A_147] : memref<256x256xf32, #tpu.memory_space<vmem>>, vector<256x256xf32>
    %dot_general3A_149 = arith.constant dense<0.000000e+00> : vector<4x256xf32>
    %dot_general3A_150 = tpu.matmul %reduce_sum3A_142, %get3A_148, %dot_general3A_149 {dimension_numbers = #tpu.dot_dimension_numbers<[1], [0], [0], [1], [0, 0, 1, 1], [], []>, transpose_lhs_hint = false} : vector<4x256xf32>, vector<256x256xf32>, vector<4x256xf32> -> vector<4x256xf32>
    %get3A_151 = arith.constant 0 : index
    %get3A_152 = arith.constant 0 : index
    %get3A_153 = vector.load %arg9[%get3A_151, %get3A_152] : memref<256x256xf32, #tpu.memory_space<vmem>>, vector<256x256xf32>
    %dot_general3A_154 = arith.constant dense<0.000000e+00> : vector<4x256xf32>
    %dot_general3A_155 = tpu.matmul %reduce_sum3A_145, %get3A_153, %dot_general3A_154 {dimension_numbers = #tpu.dot_dimension_numbers<[1], [0], [0], [1], [0, 0, 1, 1], [], []>, transpose_lhs_hint = false} : vector<4x256xf32>, vector<256x256xf32>, vector<4x256xf32> -> vector<4x256xf32>
    %add3A_156 = arith.addf %dot_general3A_150, %dot_general3A_155 : vector<4x256xf32>
    %broadcast_in_dim3A_157 = vector.shape_cast %add3A_156 : vector<4x256xf32> to vector<1x4x256xf32>
    %swap3A = arith.constant 0 : index
    %swap3A_158 = arith.constant 0 : index
    %swap3A_159 = arith.constant 0 : index
    %swap3A_160 = vector.load %arg10[%swap3A, %swap3A_158, %swap3A_159] : memref<1x4x256xf32, #tpu.memory_space<vmem>>, vector<1x4x256xf32>
    tpu.vector_store %arg10[%swap3A, %swap3A_158, %swap3A_159], %broadcast_in_dim3A_157 {strides = array<i32>} : memref<1x4x256xf32, #tpu.memory_space<vmem>>, vector<1x4x256xf32>,
    return
  }
  func.func @transform_0(%arg0: i32) -> (i32, i32, i32) {
    %c0_i32 = arith.constant 0 : i32
    %c0_i32_0 = arith.constant 0 : i32
    %c0_i32_1 = arith.constant 0 : i32
    return %arg0, %c0_i32, %c0_i32_0 : i32, i32, i32
  }
  func.func @transform_1(%arg0: i32) -> (i32, i32, i32) {
    %c0_i32 = arith.constant 0 : i32
    %c0_i32_0 = arith.constant 0 : i32
    %c0_i32_1 = arith.constant 0 : i32
    return %arg0, %c0_i32, %c0_i32_0 : i32, i32, i32
  }
  func.func @transform_2(%arg0: i32) -> (i32, i32, i32) {
    %c0_i32 = arith.constant 0 : i32
    %c0_i32_0 = arith.constant 0 : i32
    %c0_i32_1 = arith.constant 0 : i32
    return %arg0, %c0_i32, %c0_i32_0 : i32, i32, i32
  }
  func.func @transform_3(%arg0: i32) -> (i32, i32) {
    %c0_i32 = arith.constant 0 : i32
    %c0_i32_0 = arith.constant 0 : i32
    %c0_i32_1 = arith.constant 0 : i32
    return %c0_i32, %c0_i32_0 : i32, i32
  }
  func.func @transform_4(%arg0: i32) -> (i32, i32) {
    %c0_i32 = arith.constant 0 : i32
    %c0_i32_0 = arith.constant 0 : i32
    %c0_i32_1 = arith.constant 0 : i32
    return %c0_i32, %c0_i32_0 : i32, i32
  }
  func.func @transform_5(%arg0: i32) -> (i32, i32) {
    %c0_i32 = arith.constant 0 : i32
    %c0_i32_0 = arith.constant 0 : i32
    %c0_i32_1 = arith.constant 0 : i32
    return %c0_i32, %c0_i32_0 : i32, i32
  }
  func.func @transform_6(%arg0: i32) -> (i32, i32) {
    %c0_i32 = arith.constant 0 : i32
    %c0_i32_0 = arith.constant 0 : i32
    %c0_i32_1 = arith.constant 0 : i32
    return %c0_i32, %c0_i32_0 : i32, i32
  }
  func.func @transform_7(%arg0: i32) -> (i32, i32) {
    %c0_i32 = arith.constant 0 : i32
    %c0_i32_0 = arith.constant 0 : i32
    %c0_i32_1 = arith.constant 0 : i32
    return %c0_i32, %c0_i32_0 : i32, i32
  }
  func.func @transform_8(%arg0: i32) -> (i32, i32) {
    %c0_i32 = arith.constant 0 : i32
    %c0_i32_0 = arith.constant 0 : i32
    %c0_i32_1 = arith.constant 0 : i32
    return %c0_i32, %c0_i32_0 : i32, i32
  }
  func.func @transform_9(%arg0: i32) -> (i32, i32, i32) {
    %c0_i32 = arith.constant 0 : i32
    %c0_i32_0 = arith.constant 0 : i32
    %c0_i32_1 = arith.constant 0 : i32
    return %arg0, %c0_i32, %c0_i32_0 : i32, i32, i32
  }
}

</mosaic_0001>

<sc_bundles>
// kernel: sparse-core-data-format-call.cloned.1.call-start
scs
called_computation_lowered:
.L_overlay_start_0:
0x0: {  	s1 =	sld [smem:$0x3FD9]  }
0x1: {  	s2 =	sld [smem:$0x3FFE];
	_ =	sdelay $0x1  }
0x2: {  	s3 =	srdreg.scid  }
0x3: {  	s0 =	sand.u32 $0x1, s3  }
0x4: {  	s17 =	sshll.u32 s0, $0xA;
	s1 =	sadd.s32 s2, s1  }
0x5: {  	s1 =	sadd.s32 s1, s17  }
0x6: {  	[smem:$0x3FC2] =	sst s1  }
0x7: {  	_ = 	snop  }
0x8: {  	(tm) =	ssettm $0x1  }
0x9: {  	s18 =	sld [smem:$0x3FFB];
	_ =	sdelay $0x3  }
0xa: {  	_ =	strace s18  }
0xb: {  	s1 =	sld [smem:$0x3FFC];
	_ =	sdelay $0x3  }
0xc: {  	_ =	strace s1  }
0xd: {  	s1 =	sld [smem:$0x3FFD];
	_ =	sdelay $0x3  }
0xe: {  	_ =	strace s1  }
0xf: {  	_ =	strace $0x8FFFFFFF  }
0x10: {  	s19 =	sld [smem:$0x3FDB];
	_ =	sdelay $0x1  }
0x11: {  	s20 =	simm.s32 $_scs_section_size  }
0x12: {  	s4 =	simm.s32 $_size__tile_overlayer_lowered;
	s5 =	simm.s32 $_tile_overlayer_lowered  }
0x13: {  	s23 =	simm.s32 $0x1BFF;
	s22 =	sshll.u32 s5, $0x1;
	s1 =	sadd.s32 s20, s19  }
0x14: {  	s6 =	simm.s32 $0x0;
	s21 =	sshll.u32 s4, $0x1;
	s4 =	sadd.s32 s22, s1  }
0x15: {  	[timem:s6], [sflag:s23] =	dma.local [hbm:s4], s21  }
0x16: {  	_ =	swait.ge [sflag:s23], s21  }
0x17: {  	s2 =	ssub.s32 $0x0, s21;
	[sflag:s23] =	ssyncset.done $0x0  }
0x18: {  	[sflag:s23] =	ssyncadd.s32 s2;
	_ =	sdelay $0x1  }
0x19: {  	s24 =	simm.s32 $0x1B8B  }
0x1a: {  	_ =	swait.ge [sflag:s24], $0x1  }
0x1b: {  	[sflag:s24] =	ssyncset.done $0x0  }
0x1c: {  	s26 =	simm.s32 $0x1B8E;
	s25 =	sld [smem:$0x3FFE];
	[sflag:s24] =	ssyncadd.s32 $0xFFFFFFFF  }
0x1d: {  	s27 =	simm.s32 $execute0_lowered;
	[smem:$0x3FD2] =	sst s26  }
0x1e: {  	s4 =	sshll.u32 s27, $0x1;
	_ =	strace $0x80000046;
	[dreg:$0x1] =	wrdreg $0xFFFFFFFF  }
0x1f: {  	s28 =	simm.s32 $_size_execute0_lowered;
	s1 =	sadd.s32 s1, s4;
	[dreg:$0x0] =	wrdreg $0x0  }
0x20: {  	s4 =	sshll.u32 s28, $0x1;
	[dreg:$0x2] =	wrdreg s1  }
0x21: {  	[dreg:$0x3] =	wrdreg s4  }
0x22: {  	[dreg:$0x4] =	wrdreg $0xC0  }
0x23: {  	_ =	task [dreg:s6], $0x5FFFF  }
0x24: {  	[dreg:$0x1] =	wrdreg $0xFFFFFFFF  }
0x25: {  	[dreg:$0x0] =	wrdreg $0x60  }
0x26: {  	[dreg:$0x2] =	wrdreg s25  }
0x27: {  	[dreg:$0x3] =	wrdreg $0x9  }
0x28: {  	_ =	task.clear_ibuf [dreg:s6], $0x4FFFF;
	_ =	strace $0x90000046  }
0x29: {  	s29 =	simm.s32 $0x9;
	_ =	strace $0x80000048  }
0x2a: {  	_ =	swait.ge [sflag:s29], $0x1  }
0x2b: {  	[sflag:s29] =	ssyncadd.s32 $0xFFFFFFFF  }
0x2c: {  	_ =	strace $0x90000048  }
0x2d: {  	_ =	sfence  }
0x2e: {  	s30 =	sld [smem:$0x0];
	_ =	sdelay $0x2  }
0x2f: {  	s31 =	sshll.u32 s3, $0xD;
	s3 =	sshrl.u32 s3, $0x2  }
0x30: {  	s2 =	sand.u32 $0x4000, s31;
	s1 =	sadd.s32 s3, s30  }
0x31: {  	s0 =	sor.u32 s2, s0;
	s1 =	sshll.u32 s1, $0x11  }
0x32: {  	s0 =	sor.u32 s1, s0  }
0x33: {  	s0 =	sadd.s32 $0x8F2B, s0  }
0x34: {  	[sflag:s0] =	ssyncadd.remote.s32 $0x1  }
0x35: {  	_ =	sfence.sel $0xFFFF  }
0x36: {  	[dreg:$0x0] =	wrdreg $0xFFFFFFFF;
	(pc) =	sbr.abs _section_cstart, $3  }
0x37: {  	[dreg:$0x1] =	wrdreg $0xFFFFFFFF  }
0x38: {  	_ =	task.clear_ibuf [dreg:s6], $0x2FFFF;
	_ =	strace $0x9FFFFFFF  }
0x39: {  	(tm) =	ssettm $0x7FFFFFFF  }
tec
execute0_lowered:
.L_overlay_start_1:
0x0: {  	(tag) =	ssettag $0x1  }
0x1: {  	s1 =	rddreg [dreg:$0x0]  }
0x2: {  	s0 =	rddreg [dreg:$0x1]  }
0x3: {  	_ =	strace $0x80000047;
	s4 =	srdreg.scid;
	s6 =	simm.s32 $0x2  }
0x4: {  	s15 =	simm.s32 $0x0;
	p0 =	por $0x0, $0x0;
	s12 =	simm.s32 $0x0  }
0x5: {  	s13 =	simm.s32 $0x0;
	s14 =	simm.s32 $0x0;
	s8 =	simm.s32 $0x0  }
.Ltmp0:
0x6: {  	s9 =	simm.s32 $0x0;
	s10 =	simm.s32 $0x0;
	(pc) =	sbr.rel .LBB1_1-.Ltmp0, $4  }
0x7: {  	s2 =	sadd.s32 $0x181400, s1;
	s3 =	sadd.s32 $0x381400, s1;
	s5 =	sshll.u32 s4, $0x4  }
0x8: {  	s1 =	stileid.u32;
	s4 =	simm.s32 $0x1;
	s5 =	sand.u32 $0x10, s5  }
0x9: {  	s7 =	simm.s32 $0x0;
	[sflag:s4] =	ssyncpa.u1 $0x0;
	s5 =	sor.u32 s1, s5  }
0xa: {  	[sflag:s6] =	ssyncpa.u1 $0x0;
	s6 =	simm.s32 $0x800;
	s11 =	smov.u32 s5  }
.LBB1_7:
0xb: {  	s16 =	sadd.s32 $0x2, s8  }
0xc: {  	s12 =	sadd.s32 $0x40, s9;
	s17 =	smov.u32 s9;
	p2 =	sgt.s32 s16, $0x1F  }
0xd: {  	s17 =	smov.u32 @p2 s12  }
0xe: {  	s18 =	smov.u32 s10;
	s12 =	sadd.s32 $0x4, s10;
	p3 =	sgt.s32 s17, $0x3F  }
0xf: {  	s18 =	smov.u32 @p3 s12  }
0x10: {  	s19 =	smov.u32 s11;
	s12 =	sadd.s32 $0x20, s11;
	p4 =	sgt.s32 s18, $0x3  }
0x11: {  	p1 =	slt.u32 s7, $0x2;
	s19 =	smov.u32 @p4 s12  }
0x12: {  	s7 =	sadd.s32 $0x1, s7;
	s16 =	simm.s32 @p2 $0x0;
	p2 =	sgt.s32 s19, $0x1F  }
0x13: {  	s15 =	smov.u32 s8;
	s19 =	smov.u32 @p2 s5;
	p2 =	sne.s32 s7, $0x12  }
.Ltmp1:
0x14: {  	s13 =	smov.u32 s10;
	s20 =	simm.s32 @!p1 $0x2;
	(pc) =	sbr.rel @!p2 .LBB1_8-.Ltmp1, $4  }
0x15: {  	s14 =	smov.u32 s11;
	p0 =	por !p0, !p0;
	_ =	swait.ge @!p1 [sflag:s20], $0x4000  }
0x16: {  	[sflag:s20] =	ssyncset.done @!p1 $0x0;
	s8 =	smov.u32 s16;
	s17 =	simm.s32 @p3 $0x0  }
0x17: {  	[sflag:s20] =	ssyncadd.s32 @!p1 $0xFFFFC000;
	s18 =	simm.s32 @p4 $0x0;
	s12 =	smov.u32 s9  }
0x18: {  	s9 =	smov.u32 s17;
	s10 =	smov.u32 s18;
	s11 =	smov.u32 s19  }
.LBB1_1:
0x19: {  	p1 =	sgt.u32 s7, $0xF  }
0x1a: {  	s16 =	sshll.u32 @!p1 s11, $0x10;
	s17 =	sshll.u32 @!p1 s10, $0xE  }
0x1b: {  	s18 =	sshll.u32 @!p1 s9, $0x8;
	s19 =	sshll.u32 @!p1 s8, $0x3;
	s16 =	sadd.s32 @!p1 s2, s16  }
0x1c: {  	s19 =	sand.u32 @!p1 $0xF0, s19;
	s16 =	sadd.s32 @!p1 s17, s16;
	s17 =	sxor.u32 @!p1 $0xFFFFFFFF, s7  }
0x1d: {  	s16 =	sadd.s32 @!p1 s18, s16;
	s17 =	sshll.u32 @!p1 s17, $0xE;
	s18 =	simm.s32 @!p1 $0x40  }
0x1e: {  	s16 =	sadd.s32 @!p1 s19, s16;
	s17 =	sand.u32 @!p1 $0x4000, s17;
	s19 =	simm.s32 @!p1 $0x800  }
0x1f: {  	[tilespmem:s17], [sflag:$0x1] =	stream.strided.gather @!p1 [hbm4b:s16+s18], $0x4000, s19, s18, $0x38;
	[tilespmem:$0x10200] =	vst v63  }
0x20: {  	p1 =	seq.s32 s7, $0x0  }
0x21: {  	p2 =	seq.s32 @!p1 s7, $0x11  }
0x22: {  	p1 =	por p1, p2  }
.Ltmp2:
0x23: {  	_ = 	snop;
	(pc) =	sbr.rel @p1 .LBB1_7-.Ltmp2, $1  }
0x24: {  	_ =	sdelay $0x3  }
0x25: {  	s16 =	simm.s32 $0x1;
	s18 =	sand.u32 $0x1, s7  }
0x26: {  	_ =	swait.ge [sflag:s4], $0x4000;
	s16 =	simm.s32 @!p0 $0x0;
	s19 =	smul.u32 $0x10400, s18  }
0x27: {  	[sflag:s4] =	ssyncset.done $0x0;
	s17 =	smul.u32 $0x10400, s16  }
0x28: {  	s16 =	sshll.u32 s16, $0xE;
	[sflag:s4] =	ssyncadd.s32 $0xFFFFC000  }
0x29: {  	s18 =	sor.u32 $0x20, s16;
	s31 =	sshrl.u32 s19, $0x2;
	s17 =	sshrl.u32 s17, $0x2  }
0x2a: {  	s19 =	simm.s32 $0x0;
	s16 =	sor.u32 $0x8000, s31;
	s17 =	sor.u32 $0x8000, s17  }
.LBB1_3:
0x2b: {  	v3 =	vld [tilespmem:s18+$0x10]  }
0x2c: {  	v2 =	vld [tilespmem:s18+$0xFFFFFFF0]  }
0x2d: {  	v0 =	vld [tilespmem:s18+$0x0]  }
0x2e: {  	v1 =	vld [tilespmem:s18+$0xFFFFFFE0]  }
0x2f: {  	s20 =	sadd.s32 $0x0, s17  }
0x30: {  	s21 =	simm.s32 $0x4;
	s22 =	sadd.s32 $0x40, s18;
	[tilespmem:s20+$0x30C0 ss:$0x104] =	vst.msk $0xffff, v3  }
.LBB1_4:
0x31: {  	v3 =	vld [tilespmem:s22+$0x10];
	p1 =	sne.s32 s21, $0xFC;
	[tilespmem:s20+$0x1040 ss:$0x104] =	vst.msk $0xffff, v2;
	s23 =	smov.u32 s21;
	s21 =	sadd.s32 $0x4, s21  }
.Ltmp3:
0x32: {  	v2 =	vld [tilespmem:s22+$0xFFFFFFF0];
	[tilespmem:s20+$0x2080 ss:$0x104] =	vst.msk $0xffff, v0;
	(pc) =	sbr.rel @p1 .LBB1_4-.Ltmp3, $4  }
0x33: {  	v0 =	vld [tilespmem:s22+$0x0];
	[tilespmem:s20+$0x0 ss:$0x104] =	vst.msk $0xffff, v1  }
0x34: {  	s20 =	sshra.s32 s23, $0x2;
	v1 =	vld [tilespmem:s22+$0xFFFFFFE0]  }
0x35: {  	s20 =	sadd.s32 s20, s17  }
0x36: {  	s22 =	sadd.s32 $0x40, s22;
	[tilespmem:s20+$0x30C0 ss:$0x104] =	vst.msk $0xffff, v3  }
0x37: {  	s19 =	sadd.s32 $0x1, s19  }
0x38: {  	p1 =	sne.s32 s19, $0x4  }
.Ltmp4:
0x39: {  	_ = 	snop;
	(pc) =	sbr.rel @p1 .LBB1_3-.Ltmp4, $4  }
0x3a: {  	_ = 	snop  }
0x3b: {  	[tilespmem:s20+$0x1040 ss:$0x104] =	vst.msk $0xffff, v2  }
0x3c: {  	[tilespmem:s20+$0x2080 ss:$0x104] =	vst.msk $0xffff, v0  }
0x3d: {  	s17 =	sadd.s32 $0x41, s17;
	s18 =	sadd.s32 $0x1000, s18;
	[tilespmem:s20+$0x0 ss:$0x104] =	vst.msk $0xffff, v1  }
0x3e: {  	s15 =	sshll.u32 s15, $0x7  }
0x3f: {  	s17 =	sshll.u32 s12, $0x3;
	s27 =	sshll.u32 s12, $0x1;
	s14 =	sshll.u32 s14, $0x10  }
0x40: {  	s13 =	sshll.u32 s13, $0x8;
	s18 =	sand.u32 $0xC00, s15;
	s17 =	sand.u32 $0xC00, s17  }
0x41: {  	s29 =	sshrl.u32 s12, $0x3;
	s15 =	sand.u32 $0x300, s15;
	s17 =	sadd.s32 s17, s18  }
0x42: {  	s30 =	sand.u32 $0x7, s12;
	s28 =	sand.u32 $0x80, s27;
	s15 =	sor.u32 s15, s17  }
.Ltmp5:
0x43: {  	s14 =	sadd.s32 s3, s14;
	s15 =	sor.u32 s28, s15;
	(pc) =	sbr.rel .LBB1_7-.Ltmp5, $4  }
0x44: {  	s13 =	sadd.s32 s13, s14;
	s17 =	sand.u32 $0x7, s29;
	s15 =	sshrl.u32 s15, $0x4  }
0x45: {  	s12 =	sshll.u32 s30, $0x12;
	s13 =	sadd.s32 s17, s13;
	s31 =	sand.u32 $0xF8, s15  }
0x46: {  	s12 =	sor.u32 $0x40, s12;
	s13 =	sadd.s32 s31, s13  }
0x47: {  	[hbm4b:s13+s12] =	stream.strided.scatter [tilespmem:s16], [sflag:$0x2], $0x4000, s6, s12, $0x18;
	[tilespmem:$0x10200] =	vst v63  }
.LBB1_8:
0x48: {  	_ =	sfence.sel $0x180000  }
0x49: {  	s2 =	simm.s32 $0x1;
	[bflag:$0x0] =	sbarrier.arrive $0xFFFF  }
0x4a: {  	s31 =	simm.s32 $0x2;
	[sflag:s2] =	ssyncpa.u1 $0x1  }
0x4b: {  	[sflag:s31] =	ssyncpa.u1 $0x1  }
0x4c: {  	p0 =	sne.s32 s1, $0x0;
	_ =	strace $0x90000047  }
0x4d: {  	s0 =	sadd.s32 @!p0 $0x100000, s0;
	[bflag:$0x2] =	sbarrier.arrive $0xFFFF  }
0x4e: {  	[sflag:s0] =	ssyncadd.tile.s32 @!p0 $0x1;
	_ =	shalt  }
.Lfunc_end1:
_tile_overlayer_lowered:
.L_overlay_start_2:
0x4f: {  	(tag) =	ssettag $0x2  }
0x50: {  	s0 =	rddreg [dreg:$0x0];
	s2 =	stileid.u32  }
0x51: {  	s1 =	rddreg [dreg:$0x1];
	p0 =	sne.s32 s2, $0x0  }
0x52: {  	s3 =	rddreg [dreg:$0x2];
	[bflag:$0x3] =	sbarrier.arrive $0xFFFF;
	s2 =	simm.s32 @!p0 $0x1C01  }
0x53: {  	[timem:s3], [sflag:s2] =	dma.local @!p0 [hbm:s0], s1  }
0x54: {  	s0 =	simm.s32 @!p0 $0x1  }
0x55: {  	_ =	swait.ge @!p0 [sflag:s0], s1  }
0x56: {  	s1 =	ssub.s32 @!p0 $0x0, s1;
	[sflag:s0] =	ssyncset.done @!p0 $0x0  }
0x57: {  	[sflag:s0] =	ssyncadd.s32 @!p0 s1  }
0x58: {  	[bflag:$0x3] =	sbarrier.arrive $0xFFFF  }
0x59: {  	_ =	shalt  }

</sc_bundles>
